<compile_context>
chip_gen: v7x
topology: tpu7x:2x2x1
jax: 0.10.2.dev20260603
libtpu: 0.0.44.dev20260713+nightly
codegen_flags: <defaults>
</compile_context>

<pallas_src>
import functools

import jax
import jax.numpy as jnp
from jax import lax
from jax.experimental import pallas as pl
from jax.experimental.pallas import tpu as pltpu
from jax.experimental.pallas import tpu_sc as plsc

_NUM_CORES = 2
_NUM_SUBCORES = 16
_NUM_WORKERS = _NUM_CORES * _NUM_SUBCORES
_CHUNK = 32
_NBUF = 2


def _make_lookup(batch: int, seq: int, vocab: int, d: int):
    n_ids = batch * seq
    assert n_ids % (_NUM_WORKERS * _CHUNK) == 0
    b_per_w = n_ids // _NUM_WORKERS
    assert seq % b_per_w == 0
    w_per_row = seq // b_per_w
    n_chunks = b_per_w // _CHUNK
    mesh = plsc.VectorSubcoreMesh(core_axis_name="c", subcore_axis_name="s")

    @functools.partial(
        pl.kernel,
        out_type=jax.ShapeDtypeStruct((batch, seq, d), jnp.float32),
        mesh=mesh,
        scratch_types=[
            pltpu.VMEM((b_per_w,), jnp.int32),
            [pltpu.VMEM((_CHUNK, d), jnp.float32) for _ in range(_NBUF)],
            [pltpu.SemaphoreType.DMA for _ in range(_NBUF)],
        ],
    )
    def lookup(ids_hbm, table_hbm, out_hbm, idx_v, bufs, gsems):
        wid = lax.axis_index("s") * _NUM_CORES + lax.axis_index("c")
        row = wid // w_per_row
        col = (wid % w_per_row) * b_per_w
        pltpu.sync_copy(ids_hbm.at[row, pl.ds(col, b_per_w)], idx_v)

        max_off = (n_chunks - 1) * _CHUNK

        def start_gather(g, b):
            off = lax.min(g * _CHUNK, max_off)
            pltpu.async_copy(
                table_hbm.at[idx_v.at[pl.ds(off, _CHUNK)]], bufs[b], gsems[b]
            )

        def wait_gather(b):
            pltpu.make_async_copy(
                table_hbm.at[idx_v.at[pl.ds(0, _CHUNK)]], bufs[b], gsems[b]
            ).wait()

        def sync_write(g, b):
            pltpu.sync_copy(
                bufs[b], out_hbm.at[row, pl.ds(col + g * _CHUNK, _CHUNK)]
            )

        start_gather(0, 0)

        def pair_body(h, carry):
            g0 = 2 * h
            start_gather(g0 + 1, 1)
            wait_gather(0)
            sync_write(g0, 0)
            start_gather(g0 + 2, 0)
            wait_gather(1)
            sync_write(g0 + 1, 1)
            return carry

        lax.fori_loop(0, n_chunks // 2, pair_body, 0)
        wait_gather(0)

    return lookup


def kernel(input_ids, table):
    b, s = input_ids.shape
    vocab, d = table.shape
    return _make_lookup(b, s, vocab, d)(input_ids, table)

# --- scband reference (transcript-rebuilt; emitter-appended) ---
"""Pipeline reference for scband-optvocab-embedding-72524817760264 (READ-ONLY COPY).

The authoritative reference and input builder live on the scoring server;
editing this copy changes nothing except your own understanding.
"""

import jax, jax.numpy as jnp
import numpy as np

VOCAB_SIZE = 50272
EMBED_DIM = 1024
PADDING_IDX = 1
BATCH = 4
SEQ_LEN = 8192


def setup_inputs(seed: int = 0) -> dict:
    key = jax.random.key(seed)
    k_idx, k_tab = jax.random.split(key)
    input_ids = jax.random.randint(k_idx, (BATCH, SEQ_LEN), 0, VOCAB_SIZE, dtype=jnp.int32)
    table = jax.random.normal(k_tab, (VOCAB_SIZE, EMBED_DIM), dtype=jnp.float32)
    # torch.nn.Embedding with padding_idx zero-initializes that row
    table = table.at[PADDING_IDX].set(0.0)
    return {"input_ids": input_ids, "table": table}


def reference(input_ids, table):
    # Faithful translation: embedding lookup with padding_idx row forced to zero.
    t = table.at[PADDING_IDX].set(0.0)
    x = jnp.take(t, input_ids, axis=0)  # [B, S, D]
    # all_gather over hidden dim with world_size=1 is identity (concat of single shard)
    x = jnp.concatenate([x], axis=-1)
    return x

if __name__ == "__main__":
    import jax
    _d = setup_inputs()
    print(jax.jit(kernel)(*tuple(_d.values())))

</pallas_src>

<mosaic_0001>
#map = affine_map<(d0, d1) -> (0, 0)>
#map1 = affine_map<(d0, d1) -> (0, 0, 0)>
module attributes {stable_mosaic.version = 14 : i64} {
  func.func @lookup(%arg0: i32, %arg1: i32, %arg2: memref<4x8192xi32, #tpu.memory_space<hbm>>, %arg3: memref<50272x1024xf32, #tpu.memory_space<hbm>>, %arg4: memref<4x8192x1024xf32, #tpu.memory_space<hbm>>, %arg5: memref<1024xi32, #tpu.memory_space<vmem>>, %arg6: memref<32x1024xf32, #tpu.memory_space<vmem>>, %arg7: memref<32x1024xf32, #tpu.memory_space<vmem>>, %arg8: memref<!tpu.dma_semaphore, #tpu.memory_space<semaphore_mem>>, %arg9: memref<!tpu.dma_semaphore, #tpu.memory_space<semaphore_mem>>) attributes {dimension_semantics = [#tpu.dimension_semantics<core_parallel>, #tpu.dimension_semantics<subcore_parallel>], iteration_bounds = array<i64: 2, 16>, scalar_prefetch = 0 : i64, scratch_operands = 5 : i64, tpu.core_type = #tpu.core_type<sc_vector_subcore>, window_params = [{transform_indices = #map}, {transform_indices = #map}, {transform_indices = #map1}]} {
    %mul3A = arith.constant 2 : i32
    %mul3A_0 = arith.muli %arg1, %mul3A : i32
    %add3A = arith.addi %mul3A_0, %arg0 : i32
    %jit3A = arith.constant 8 : i32
    %div3A = arith.divsi %add3A, %jit3A : i32
    %sign3A = arith.constant 0 : i32
    %sign3A_1 = arith.cmpi sgt, %add3A, %sign3A : i32
    %sign3A_2 = arith.extui %sign3A_1 : i1 to i32
    %sign3A_3 = arith.constant 0 : i32
    %sign3A_4 = arith.cmpi slt, %add3A, %sign3A_3 : i32
    %sign3A_5 = arith.extui %sign3A_4 : i1 to i32
    %sign3A_6 = arith.subi %sign3A_2, %sign3A_5 : i32
    %sign3A_7 = arith.constant 0 : i32
    %sign3A_8 = arith.cmpi sgt, %jit3A, %sign3A_7 : i32
    %sign3A_9 = arith.extui %sign3A_8 : i1 to i32
    %sign3A_10 = arith.constant 0 : i32
    %sign3A_11 = arith.cmpi slt, %jit3A, %sign3A_10 : i32
    %sign3A_12 = arith.extui %sign3A_11 : i1 to i32
    %sign3A_13 = arith.subi %sign3A_9, %sign3A_12 : i32
    %ne3A = arith.cmpi ne, %sign3A_6, %sign3A_13 : i32
    %rem3A = arith.remsi %add3A, %jit3A : i32
    %ne3A_14 = arith.constant 0 : i32
    %ne3A_15 = arith.cmpi ne, %rem3A, %ne3A_14 : i32
    %and3A = arith.andi %ne3A, %ne3A_15 : i1
    %sub3A = arith.constant 1 : i32
    %sub3A_16 = arith.subi %div3A, %sub3A : i32
    %select_n3A = arith.select %and3A, %sub3A_16, %div3A : i32
    %jit3A_17 = arith.constant 8 : i32
    %eq3A = arith.constant 0 : i32
    %eq3A_18 = arith.cmpi eq, %jit3A_17, %eq3A : i32
    %jit3A_19 = arith.constant 1 : i32
    %select_n3A_20 = arith.select %eq3A_18, %jit3A_19, %jit3A_17 : i32
    %rem3A_21 = arith.remsi %add3A, %select_n3A_20 : i32
    %ne3A_22 = arith.constant 0 : i32
    %ne3A_23 = arith.cmpi ne, %rem3A_21, %ne3A_22 : i32
    %lt3A = arith.constant 0 : i32
    %lt3A_24 = arith.cmpi slt, %rem3A_21, %lt3A : i32
    %lt3A_25 = arith.constant 0 : i32
    %lt3A_26 = arith.cmpi slt, %select_n3A_20, %lt3A_25 : i32
    %ne3A_27 = arith.xori %lt3A_24, %lt3A_26 : i1
    %and3A_28 = arith.andi %ne3A_27, %ne3A_23 : i1
    %add3A_29 = arith.addi %rem3A_21, %select_n3A_20 : i32
    %select_n3A_30 = arith.select %and3A_28, %add3A_29, %rem3A_21 : i32
    %mul3A_31 = arith.constant 1024 : i32
    %mul3A_32 = arith.muli %select_n3A_30, %mul3A_31 : i32
    "tpu.region"() ({
      %run_scoped3A = tpu.sem_alloc : memref<!tpu.dma_semaphore, #tpu.memory_space<semaphore_mem>>
      %dma_start3A_47 = tpu.memref_slice %arg2[%select_n3A, %mul3A_32] : memref<4x8192xi32, #tpu.memory_space<hbm>> -> memref<1x1024xi32, #tpu.memory_space<hbm>>
      %dma_start3A_48 = tpu.memref_squeeze %dma_start3A_47 : memref<1x1024xi32, #tpu.memory_space<hbm>> -> memref<1024xi32, #tpu.memory_space<hbm>>
      %dma_start3A_49 = tpu.memref_slice %arg2[%select_n3A, %mul3A_32] : memref<4x8192xi32, #tpu.memory_space<hbm>> -> memref<1x1024xi32, #tpu.memory_space<hbm>>
      %dma_start3A_50 = tpu.memref_squeeze %dma_start3A_49 : memref<1x1024xi32, #tpu.memory_space<hbm>> -> memref<1024xi32, #tpu.memory_space<hbm>>
      tpu.enqueue_dma source(%dma_start3A_50 : memref<1024xi32, #tpu.memory_space<hbm>>) target(%arg5 : memref<1024xi32, #tpu.memory_space<vmem>>) target_semaphore(%run_scoped3A : memref<!tpu.dma_semaphore, #tpu.memory_space<semaphore_mem>>)
      %dma_wait3A_51 = tpu.memref_slice %arg2[%select_n3A, %mul3A_32] : memref<4x8192xi32, #tpu.memory_space<hbm>> -> memref<1x1024xi32, #tpu.memory_space<hbm>>
      %dma_wait3A_52 = tpu.memref_squeeze %dma_wait3A_51 : memref<1x1024xi32, #tpu.memory_space<hbm>> -> memref<1024xi32, #tpu.memory_space<hbm>>
      %dma_wait3A_53 = tpu.memref_slice %arg2[%select_n3A, %mul3A_32] : memref<4x8192xi32, #tpu.memory_space<hbm>> -> memref<1x1024xi32, #tpu.memory_space<hbm>>
      %dma_wait3A_54 = tpu.memref_squeeze %dma_wait3A_53 : memref<1x1024xi32, #tpu.memory_space<hbm>> -> memref<1024xi32, #tpu.memory_space<hbm>>
      tpu.wait_dma2 semaphore(%run_scoped3A : memref<!tpu.dma_semaphore, #tpu.memory_space<semaphore_mem>>) src(%dma_wait3A_54 : memref<1024xi32, #tpu.memory_space<hbm>>) dst(%arg5 : memref<1024xi32, #tpu.memory_space<vmem>>)
      tpu.yield
    }) : () -> ()
    %min3A = arith.constant 0 : i32
    %min3A_33 = arith.constant 992 : i32
    %min3A_34 = arith.minsi %min3A, %min3A_33 : i32
    %dma_start3A = tpu.memref_slice %arg5[%min3A_34] : memref<1024xi32, #tpu.memory_space<vmem>> -> memref<32xi32, #tpu.memory_space<vmem>>
    %dma_start3A_35 = arith.constant 0 : i32
    %dma_start3A_36 = arith.constant 0 : i32
    %dma_start3A_37 = tpu.memref_slice %arg3[%dma_start3A_35, %dma_start3A_36] : memref<50272x1024xf32, #tpu.memory_space<hbm>> -> memref<50272x1024xf32, #tpu.memory_space<hbm>>
    tpu.enqueue_indirect_dma source(%dma_start3A_37 : memref<50272x1024xf32, #tpu.memory_space<hbm>>) target(%arg6 : memref<32x1024xf32, #tpu.memory_space<vmem>>) offsets(%dma_start3A : memref<32xi32, #tpu.memory_space<vmem>>) semaphore(%arg8 : memref<!tpu.dma_semaphore, #tpu.memory_space<semaphore_mem>>)
    %scan3A = arith.constant 0 : i32
    %scan3A_38 = arith.constant 0 : i32
    %scan3A_39 = arith.constant 16 : i32
    %scan3A_40 = arith.addi %scan3A_38, %scan3A_39 : i32
    %scan3A_41 = arith.constant 1 : i32
    scf.for %scan3A_47 = %scan3A_38 to %scan3A_40 step %scan3A_41  : i32 {
      %mul3A_48 = arith.constant 2 : i32
      %mul3A_49 = arith.muli %mul3A_48, %scan3A_47 : i32
      %add3A_50 = arith.constant 1 : i32
      %add3A_51 = arith.addi %mul3A_49, %add3A_50 : i32
      %mul3A_52 = arith.constant 32 : i32
      %mul3A_53 = arith.muli %add3A_51, %mul3A_52 : i32
      %min3A_54 = arith.constant 992 : i32
      %min3A_55 = arith.minsi %mul3A_53, %min3A_54 : i32
      %dma_start3A_56 = tpu.memref_slice %arg5[%min3A_55] : memref<1024xi32, #tpu.memory_space<vmem>> -> memref<32xi32, #tpu.memory_space<vmem>>
      %dma_start3A_57 = arith.constant 0 : i32
      %dma_start3A_58 = arith.constant 0 : i32
      %dma_start3A_59 = tpu.memref_slice %arg3[%dma_start3A_57, %dma_start3A_58] : memref<50272x1024xf32, #tpu.memory_space<hbm>> -> memref<50272x1024xf32, #tpu.memory_space<hbm>>
      tpu.enqueue_indirect_dma source(%dma_start3A_59 : memref<50272x1024xf32, #tpu.memory_space<hbm>>) target(%arg7 : memref<32x1024xf32, #tpu.memory_space<vmem>>) offsets(%dma_start3A_56 : memref<32xi32, #tpu.memory_space<vmem>>) semaphore(%arg9 : memref<!tpu.dma_semaphore, #tpu.memory_space<semaphore_mem>>)
      %dma_wait3A_60 = arith.constant 0 : i32
      %dma_wait3A_61 = tpu.memref_slice %arg5[%dma_wait3A_60] : memref<1024xi32, #tpu.memory_space<vmem>> -> memref<32xi32, #tpu.memory_space<vmem>>
      %dma_wait3A_62 = arith.constant 0 : i32
      %dma_wait3A_63 = arith.constant 0 : i32
      %dma_wait3A_64 = tpu.memref_slice %arg3[%dma_wait3A_62, %dma_wait3A_63] : memref<50272x1024xf32, #tpu.memory_space<hbm>> -> memref<50272x1024xf32, #tpu.memory_space<hbm>>
      tpu.wait_indirect_dma semaphore(%arg8 : memref<!tpu.dma_semaphore, #tpu.memory_space<semaphore_mem>>) src(%dma_wait3A_64 : memref<50272x1024xf32, #tpu.memory_space<hbm>>) dst(%arg6 : memref<32x1024xf32, #tpu.memory_space<vmem>>)
      %mul3A_65 = arith.constant 32 : i32
      %mul3A_66 = arith.muli %mul3A_49, %mul3A_65 : i32
      %add3A_67 = arith.addi %mul3A_32, %mul3A_66 : i32
      "tpu.region"() ({
        %run_scoped3A = tpu.sem_alloc : memref<!tpu.dma_semaphore, #tpu.memory_space<semaphore_mem>>
        %dma_start3A_88 = arith.constant 0 : i32
        %dma_start3A_89 = tpu.memref_slice %arg4[%select_n3A, %add3A_67, %dma_start3A_88] : memref<4x8192x1024xf32, #tpu.memory_space<hbm>> -> memref<1x32x1024xf32, #tpu.memory_space<hbm>>
        %dma_start3A_90 = tpu.memref_squeeze %dma_start3A_89 : memref<1x32x1024xf32, #tpu.memory_space<hbm>> -> memref<32x1024xf32, #tpu.memory_space<hbm>>
        %dma_start3A_91 = arith.constant 0 : i32
        %dma_start3A_92 = tpu.memref_slice %arg4[%select_n3A, %add3A_67, %dma_start3A_91] : memref<4x8192x1024xf32, #tpu.memory_space<hbm>> -> memref<1x32x1024xf32, #tpu.memory_space<hbm>>
        %dma_start3A_93 = tpu.memref_squeeze %dma_start3A_92 : memref<1x32x1024xf32, #tpu.memory_space<hbm>> -> memref<32x1024xf32, #tpu.memory_space<hbm>>
        tpu.enqueue_dma source(%arg6 : memref<32x1024xf32, #tpu.memory_space<vmem>>) target(%dma_start3A_93 : memref<32x1024xf32, #tpu.memory_space<hbm>>) target_semaphore(%run_scoped3A : memref<!tpu.dma_semaphore, #tpu.memory_space<semaphore_mem>>)
        %dma_wait3A_94 = arith.constant 0 : i32
        %dma_wait3A_95 = tpu.memref_slice %arg4[%select_n3A, %add3A_67, %dma_wait3A_94] : memref<4x8192x1024xf32, #tpu.memory_space<hbm>> -> memref<1x32x1024xf32, #tpu.memory_space<hbm>>
        %dma_wait3A_96 = tpu.memref_squeeze %dma_wait3A_95 : memref<1x32x1024xf32, #tpu.memory_space<hbm>> -> memref<32x1024xf32, #tpu.memory_space<hbm>>
        %dma_wait3A_97 = arith.constant 0 : i32
        %dma_wait3A_98 = tpu.memref_slice %arg4[%select_n3A, %add3A_67, %dma_wait3A_97] : memref<4x8192x1024xf32, #tpu.memory_space<hbm>> -> memref<1x32x1024xf32, #tpu.memory_space<hbm>>
        %dma_wait3A_99 = tpu.memref_squeeze %dma_wait3A_98 : memref<1x32x1024xf32, #tpu.memory_space<hbm>> -> memref<32x1024xf32, #tpu.memory_space<hbm>>
        tpu.wait_dma2 semaphore(%run_scoped3A : memref<!tpu.dma_semaphore, #tpu.memory_space<semaphore_mem>>) src(%arg6 : memref<32x1024xf32, #tpu.memory_space<vmem>>) dst(%dma_wait3A_99 : memref<32x1024xf32, #tpu.memory_space<hbm>>)
        tpu.yield
      }) : () -> ()
      %add3A_68 = arith.constant 2 : i32
      %add3A_69 = arith.addi %mul3A_49, %add3A_68 : i32
      %mul3A_70 = arith.constant 32 : i32
      %mul3A_71 = arith.muli %add3A_69, %mul3A_70 : i32
      %min3A_72 = arith.constant 992 : i32
      %min3A_73 = arith.minsi %mul3A_71, %min3A_72 : i32
      %dma_start3A_74 = tpu.memref_slice %arg5[%min3A_73] : memref<1024xi32, #tpu.memory_space<vmem>> -> memref<32xi32, #tpu.memory_space<vmem>>
      %dma_start3A_75 = arith.constant 0 : i32
      %dma_start3A_76 = arith.constant 0 : i32
      %dma_start3A_77 = tpu.memref_slice %arg3[%dma_start3A_75, %dma_start3A_76] : memref<50272x1024xf32, #tpu.memory_space<hbm>> -> memref<50272x1024xf32, #tpu.memory_space<hbm>>
      tpu.enqueue_indirect_dma source(%dma_start3A_77 : memref<50272x1024xf32, #tpu.memory_space<hbm>>) target(%arg6 : memref<32x1024xf32, #tpu.memory_space<vmem>>) offsets(%dma_start3A_74 : memref<32xi32, #tpu.memory_space<vmem>>) semaphore(%arg8 : memref<!tpu.dma_semaphore, #tpu.memory_space<semaphore_mem>>)
      %dma_wait3A_78 = arith.constant 0 : i32
      %dma_wait3A_79 = tpu.memref_slice %arg5[%dma_wait3A_78] : memref<1024xi32, #tpu.memory_space<vmem>> -> memref<32xi32, #tpu.memory_space<vmem>>
      %dma_wait3A_80 = arith.constant 0 : i32
      %dma_wait3A_81 = arith.constant 0 : i32
      %dma_wait3A_82 = tpu.memref_slice %arg3[%dma_wait3A_80, %dma_wait3A_81] : memref<50272x1024xf32, #tpu.memory_space<hbm>> -> memref<50272x1024xf32, #tpu.memory_space<hbm>>
      tpu.wait_indirect_dma semaphore(%arg9 : memref<!tpu.dma_semaphore, #tpu.memory_space<semaphore_mem>>) src(%dma_wait3A_82 : memref<50272x1024xf32, #tpu.memory_space<hbm>>) dst(%arg7 : memref<32x1024xf32, #tpu.memory_space<vmem>>)
      %add3A_83 = arith.constant 1 : i32
      %add3A_84 = arith.addi %mul3A_49, %add3A_83 : i32
      %mul3A_85 = arith.constant 32 : i32
      %mul3A_86 = arith.muli %add3A_84, %mul3A_85 : i32
      %add3A_87 = arith.addi %mul3A_32, %mul3A_86 : i32
      "tpu.region"() ({
        %run_scoped3A = tpu.sem_alloc : memref<!tpu.dma_semaphore, #tpu.memory_space<semaphore_mem>>
        %dma_start3A_88 = arith.constant 0 : i32
        %dma_start3A_89 = tpu.memref_slice %arg4[%select_n3A, %add3A_87, %dma_start3A_88] : memref<4x8192x1024xf32, #tpu.memory_space<hbm>> -> memref<1x32x1024xf32, #tpu.memory_space<hbm>>
        %dma_start3A_90 = tpu.memref_squeeze %dma_start3A_89 : memref<1x32x1024xf32, #tpu.memory_space<hbm>> -> memref<32x1024xf32, #tpu.memory_space<hbm>>
        %dma_start3A_91 = arith.constant 0 : i32
        %dma_start3A_92 = tpu.memref_slice %arg4[%select_n3A, %add3A_87, %dma_start3A_91] : memref<4x8192x1024xf32, #tpu.memory_space<hbm>> -> memref<1x32x1024xf32, #tpu.memory_space<hbm>>
        %dma_start3A_93 = tpu.memref_squeeze %dma_start3A_92 : memref<1x32x1024xf32, #tpu.memory_space<hbm>> -> memref<32x1024xf32, #tpu.memory_space<hbm>>
        tpu.enqueue_dma source(%arg7 : memref<32x1024xf32, #tpu.memory_space<vmem>>) target(%dma_start3A_93 : memref<32x1024xf32, #tpu.memory_space<hbm>>) target_semaphore(%run_scoped3A : memref<!tpu.dma_semaphore, #tpu.memory_space<semaphore_mem>>)
        %dma_wait3A_94 = arith.constant 0 : i32
        %dma_wait3A_95 = tpu.memref_slice %arg4[%select_n3A, %add3A_87, %dma_wait3A_94] : memref<4x8192x1024xf32, #tpu.memory_space<hbm>> -> memref<1x32x1024xf32, #tpu.memory_space<hbm>>
        %dma_wait3A_96 = tpu.memref_squeeze %dma_wait3A_95 : memref<1x32x1024xf32, #tpu.memory_space<hbm>> -> memref<32x1024xf32, #tpu.memory_space<hbm>>
        %dma_wait3A_97 = arith.constant 0 : i32
        %dma_wait3A_98 = tpu.memref_slice %arg4[%select_n3A, %add3A_87, %dma_wait3A_97] : memref<4x8192x1024xf32, #tpu.memory_space<hbm>> -> memref<1x32x1024xf32, #tpu.memory_space<hbm>>
        %dma_wait3A_99 = tpu.memref_squeeze %dma_wait3A_98 : memref<1x32x1024xf32, #tpu.memory_space<hbm>> -> memref<32x1024xf32, #tpu.memory_space<hbm>>
        tpu.wait_dma2 semaphore(%run_scoped3A : memref<!tpu.dma_semaphore, #tpu.memory_space<semaphore_mem>>) src(%arg7 : memref<32x1024xf32, #tpu.memory_space<vmem>>) dst(%dma_wait3A_99 : memref<32x1024xf32, #tpu.memory_space<hbm>>)
        tpu.yield
      }) : () -> ()
    }
    %scan3A_42 = arith.constant 16 : i32
    %dma_wait3A = arith.constant 0 : i32
    %dma_wait3A_43 = tpu.memref_slice %arg5[%dma_wait3A] : memref<1024xi32, #tpu.memory_space<vmem>> -> memref<32xi32, #tpu.memory_space<vmem>>
    %dma_wait3A_44 = arith.constant 0 : i32
    %dma_wait3A_45 = arith.constant 0 : i32
    %dma_wait3A_46 = tpu.memref_slice %arg3[%dma_wait3A_44, %dma_wait3A_45] : memref<50272x1024xf32, #tpu.memory_space<hbm>> -> memref<50272x1024xf32, #tpu.memory_space<hbm>>
    tpu.wait_indirect_dma semaphore(%arg8 : memref<!tpu.dma_semaphore, #tpu.memory_space<semaphore_mem>>) src(%dma_wait3A_46 : memref<50272x1024xf32, #tpu.memory_space<hbm>>) dst(%arg6 : memref<32x1024xf32, #tpu.memory_space<vmem>>)
    return
  }
}

</mosaic_0001>

<sc_bundles>
// kernel: kernel.3.cloned.1.call-start
scs
__scs_entry_jumppad:
0x0: {  	(pc) =	sbr.rel $0x88, $3  }
0x1: {  	(tag) =	ssettag $0x0;
	lr =	simm.s32 $0x1  }
0x2: {  	[smem:$0x3F9F] =	sst lr;
	_ =	strace $0xD0000000  }
0x3: {  	_ = 	snop  }
0x4: {  	_ = 	snop  }
0x5: {  	_ = 	snop  }
0x6: {  	_ = 	snop  }
0x7: {  	_ = 	snop  }
__scs_overlays_trampoline_lowered:
0x8: {  	[smem:$0x3FAE] =	sst s0  }
0x9: {  	[smem:$0x3FAF] =	sst s1  }
0xa: {  	[smem:$0x3FB0] =	sst s2  }
0xb: {  	[smem:$0x3FB1] =	sst s3  }
0xc: {  	[smem:$0x3FB2] =	sst s4  }
0xd: {  	[smem:$0x3FB3] =	sst s5  }
0xe: {  	[smem:$0x3FB4] =	sst s6  }
0xf: {  	[smem:$0x3FB5] =	sst s7  }
0x10: {  	[smem:$0x3FB6] =	sst s8  }
0x11: {  	[smem:$0x3FB7] =	sst s9;
	s0 =	simm.s32 @!p0 $0x0  }
0x12: {  	s1 =	sld [smem:$0x3F9D];
	s0 =	simm.s32 @p0 $0x1  }
0x13: {  	[smem:$0x3FB8] =	sst s0;
	s0 =	simm.s32 @!p1 $0x0  }
0x14: {  	s2 =	sld [smem:$0x3F9C];
	s0 =	simm.s32 @p1 $0x1  }
0x15: {  	[smem:$0x3FB9] =	sst s0;
	s0 =	simm.s32 @!p2 $0x0  }
0x16: {  	s3 =	sld [smem:$0x3FDB];
	s0 =	simm.s32 @p2 $0x1  }
0x17: {  	s4 =	simm.s32 $0x1BF5;
	[smem:$0x3FBB] =	sst s0  }
0x18: {  	s0 =	sld [smem:$0x3F9E];
	_ =	swait.ge [sflag:s4], $0x0  }
0x19: {  	s7 =	sld [smem:$0x3F9F]  }
0x1a: {  	s8 =	sadd.s32 $0xFFFFE003, lr  }
0x1b: {  	s9 =	sadd.s32 $0xFFFFFEF7, lr;
	s5 =	simm.s32 $0xFFFFFFFF;
	p2 =	slt.u32 s8, $0xFFFFF086  }
0x1c: {  	p1 =	slt.u32 s9, $0xF7A;
	s5 =	simm.s32 @!p2 $0x0  }
0x1d: {  	s5 =	simm.s32 @p1 $0x1;
	p0 =	seq.s32 s7, s2  }
0x1e: {  	s7 =	smul.u32 @!p0 $0xF7A, s2;
	p2 =	seq.s32 @!p0 s5, $0x0  }
0x1f: {  	s9 =	smul.u32 $0xF7A, s1;
	s8 =	simm.s32 @!p0 $0x1BF5;
	p2 =	por !p2, p0  }
0x20: {  	[sflag:s8] =	ssyncset.s32 @!p0 $0xFFFFF086;
	s6 =	sadd.s32 @!p0 s3, s7;
	s7 =	simm.s32 @!p0 $0x108  }
0x21: {  	s3 =	sadd.s32 s3, s9;
	s6 =	sadd.s32 @!p0 $0x88, s6;
	s7 =	simm.s32 @p2 $0x1082  }
0x22: {  	[simem:s7], [sflag:s8] =	dma.local @!p0 [hbm:s6], $0xF7A  }
0x23: {  	s9 =	sor.u32 $0xD0000000, s2;
	s6 =	simm.s32 $0x108;
	_ =	swait.ge @!p0 [sflag:s8], $0x0  }
0x24: {  	s3 =	sadd.s32 $0x88, s3;
	s6 =	simm.s32 @!p1 $0x1082;
	[sflag:s4] =	ssyncset.s32 $0xFFFFF086  }
0x25: {  	[simem:s6], [sflag:s4] =	dma.local [hbm:s3], $0xF7A  }
0x26: {  	[smem:$0x3F9F] =	sst s1;
	(tag) =	ssettag s2;
	_ =	strace s9  }
0x27: {  	s1 =	sld [smem:$0x3FAF]  }
0x28: {  	s2 =	sld [smem:$0x3FB0]  }
0x29: {  	s4 =	sld [smem:$0x3FB2]  }
0x2a: {  	p0 =	seq.s32 s5, $0x0;
	s5 =	sld [smem:$0x3FB3]  }
0x2b: {  	s6 =	sld [smem:$0x3FB4]  }
0x2c: {  	s7 =	sld [smem:$0x3FB5]  }
0x2d: {  	s3 =	simm.s32 $0x108;
	s8 =	sld [smem:$0x3FB6]  }
0x2e: {  	s3 =	simm.s32 @!p0 $0x1082;
	s9 =	sld [smem:$0x3FB7]  }
0x2f: {  	lr =	sadd.s32 s0, s3;
	s0 =	sld [smem:$0x3FAE]  }
0x30: {  	s3 =	sld [smem:$0x3FB1]  }
0x31: {  	[smem:$0x3FBA] =	sst s10  }
0x32: {  	s10 =	sld [smem:$0x3FB8];
	_ =	sdelay $0x3  }
0x33: {  	p0 =	seq.s32 s10, $0x1;
	s10 =	sld [smem:$0x3FBA];
	_ =	sdelay $0x3  }
0x34: {  	[smem:$0x3FBA] =	sst s10  }
0x35: {  	s10 =	sld [smem:$0x3FB9];
	_ =	sdelay $0x3  }
0x36: {  	p1 =	seq.s32 s10, $0x1;
	s10 =	sld [smem:$0x3FBA];
	_ =	sdelay $0x3  }
0x37: {  	[smem:$0x3FBA] =	sst s10  }
0x38: {  	s10 =	sld [smem:$0x3FBB]  }
0x39: {  	_ = 	snop;
	(pc) =	sbr.ind lr, $3  }
0x3a: {  	_ = 	snop  }
0x3b: {  	_ = 	snop  }
0x3c: {  	p2 =	seq.s32 s10, $0x1;
	s10 =	sld [smem:$0x3FBA]  }
0x3d: {  	_ =	shalt  }
0x3e: {  	_ =	shalt  }
0x3f: {  	_ =	shalt  }
0x40: {  	_ =	shalt  }
0x41: {  	_ =	shalt  }
0x42: {  	_ =	shalt  }
0x43: {  	_ =	shalt  }
0x44: {  	_ =	shalt  }
0x45: {  	_ =	shalt  }
0x46: {  	_ =	shalt  }
0x47: {  	_ =	shalt  }
0x48: {  	_ =	shalt  }
0x49: {  	_ =	shalt  }
0x4a: {  	_ =	shalt  }
0x4b: {  	_ =	shalt  }
0x4c: {  	_ =	shalt  }
0x4d: {  	_ =	shalt  }
0x4e: {  	_ =	shalt  }
0x4f: {  	_ =	shalt  }
0x50: {  	_ =	shalt  }
0x51: {  	_ =	shalt  }
0x52: {  	_ =	shalt  }
0x53: {  	_ =	shalt  }
0x54: {  	_ =	shalt  }
0x55: {  	_ =	shalt  }
0x56: {  	_ =	shalt  }
0x57: {  	_ =	shalt  }
0x58: {  	_ =	shalt  }
0x59: {  	_ =	shalt  }
0x5a: {  	_ =	shalt  }
0x5b: {  	_ =	shalt  }
0x5c: {  	_ =	shalt  }
0x5d: {  	_ =	shalt  }
0x5e: {  	_ =	shalt  }
0x5f: {  	_ =	shalt  }
0x60: {  	_ =	shalt  }
0x61: {  	_ =	shalt  }
0x62: {  	_ =	shalt  }
0x63: {  	_ =	shalt  }
0x64: {  	_ =	shalt  }
0x65: {  	_ =	shalt  }
0x66: {  	_ =	shalt  }
0x67: {  	_ =	shalt  }
0x68: {  	_ =	shalt  }
0x69: {  	_ =	shalt  }
0x6a: {  	_ =	shalt  }
0x6b: {  	_ =	shalt  }
0x6c: {  	_ =	shalt  }
0x6d: {  	_ =	shalt  }
0x6e: {  	_ =	shalt  }
0x6f: {  	_ =	shalt  }
0x70: {  	_ =	shalt  }
0x71: {  	_ =	shalt  }
0x72: {  	_ =	shalt  }
0x73: {  	_ =	shalt  }
0x74: {  	_ =	shalt  }
0x75: {  	_ =	shalt  }
0x76: {  	_ =	shalt  }
0x77: {  	_ =	shalt  }
0x78: {  	_ =	shalt  }
0x79: {  	_ =	shalt  }
0x7a: {  	_ =	shalt  }
0x7b: {  	_ =	shalt  }
0x7c: {  	_ =	shalt  }
0x7d: {  	_ =	shalt  }
0x7e: {  	_ =	shalt  }
0x7f: {  	_ =	shalt  }
0x80: {  	_ =	shalt  }
0x81: {  	_ =	shalt  }
0x82: {  	_ =	shalt  }
0x83: {  	_ =	shalt  }
0x84: {  	_ =	shalt  }
0x85: {  	_ =	shalt  }
0x86: {  	_ =	shalt  }
0x87: {  	_ =	shalt  }
.Lfunc_end0:
.L_simem_size_0:
called_computation_lowered:
.L_overlay_start_0:
0x88: {  	s2 =	sld [smem:$0x3FD9]  }
0x89: {  	s3 =	sld [smem:$0x3FFE];
	_ =	sdelay $0x1  }
0x8a: {  	s1 =	srdreg.scid  }
0x8b: {  	s0 =	sand.u32 $0x1, s1  }
0x8c: {  	s18 =	sshll.u32 s0, $0xA;
	s2 =	sadd.s32 s3, s2  }
0x8d: {  	s2 =	sadd.s32 s2, s18  }
0x8e: {  	[smem:$0x3FC6] =	sst s2  }
0x8f: {  	_ = 	snop  }
0x90: {  	s2 =	sld [smem:$0x3FC9]  }
0x91: {  	s19 =	sld [smem:$0x3FC8]  }
0x92: {  	s4 =	sld [smem:$0x3FD0];
	(tm) =	ssettm $0x1  }
0x93: {  	s5 =	sld [smem:$0x3FFB];
	_ =	sdelay $0x3  }
0x94: {  	_ =	strace s5  }
0x95: {  	s5 =	sld [smem:$0x3FFC];
	_ =	sdelay $0x3  }
0x96: {  	_ =	strace s5  }
0x97: {  	s5 =	sld [smem:$0x3FFD];
	_ =	sdelay $0x3  }
0x98: {  	_ =	strace s5  }
0x99: {  	_ =	strace $0x8FFFFFFF  }
0x9a: {  	s20 =	sld [smem:$0x3FDB];
	_ =	sdelay $0x1  }
0x9b: {  	s6 =	simm.s32 $_scs_section_size  }
0x9c: {  	s7 =	simm.s32 $_size__tile_overlayer_lowered;
	s8 =	simm.s32 $_tile_overlayer_lowered  }
0x9d: {  	s23 =	simm.s32 $0x1BFF;
	s22 =	sshll.u32 s8, $0x1;
	s5 =	sadd.s32 s6, s20  }
0x9e: {  	s9 =	simm.s32 $0x0;
	s21 =	sshll.u32 s7, $0x1;
	s7 =	sadd.s32 s22, s5  }
0x9f: {  	[timem:s9], [sflag:s23] =	dma.local [hbm:s7], s21  }
0xa0: {  	_ =	swait.ge [sflag:s23], s21  }
0xa1: {  	s6 =	ssub.s32 $0x0, s21;
	[sflag:s23] =	ssyncset.done $0x0  }
0xa2: {  	[sflag:s23] =	ssyncadd.s32 s6;
	_ =	sdelay $0x1  }
0xa3: {  	s24 =	simm.s32 $0x1B8B  }
0xa4: {  	_ =	swait.ge [sflag:s24], $0x1  }
0xa5: {  	[sflag:s24] =	ssyncset.done $0x0  }
0xa6: {  	s25 =	simm.s32 $0x1B8E;
	[sflag:s24] =	ssyncadd.s32 $0xFFFFFFFF  }
0xa7: {  	s26 =	simm.s32 $execute0_lowered;
	[smem:$0x3FD2] =	sst s25  }
0xa8: {  	s6 =	sshll.u32 s26, $0x1;
	_ =	strace $0x80000046;
	[dreg:$0x1] =	wrdreg $0xFFFFFFFF  }
0xa9: {  	s28 =	simm.s32 $_size_execute0_lowered;
	s5 =	sadd.s32 s5, s6;
	[dreg:$0x0] =	wrdreg $0x0  }
0xaa: {  	s6 =	sshll.u32 s28, $0x1;
	[dreg:$0x2] =	wrdreg s5  }
0xab: {  	[dreg:$0x3] =	wrdreg s6  }
0xac: {  	[dreg:$0x4] =	wrdreg $0xC0  }
0xad: {  	_ =	task [dreg:s9], $0x5FFFF  }
0xae: {  	[dreg:$0x1] =	wrdreg $0xFFFFFFFF  }
0xaf: {  	[dreg:$0x0] =	wrdreg $0x60  }
0xb0: {  	[dreg:$0x2] =	wrdreg s2  }
0xb1: {  	[dreg:$0x3] =	wrdreg s19  }
0xb2: {  	[dreg:$0x4] =	wrdreg s4  }
0xb3: {  	[dreg:$0x5] =	wrdreg $0x9  }
0xb4: {  	_ =	task.clear_ibuf [dreg:s9], $0x6FFFF;
	_ =	strace $0x90000046  }
0xb5: {  	s29 =	simm.s32 $0x9;
	_ =	strace $0x80000048  }
0xb6: {  	_ =	swait.ge [sflag:s29], $0x1  }
0xb7: {  	[sflag:s29] =	ssyncadd.s32 $0xFFFFFFFF  }
0xb8: {  	_ =	strace $0x90000048  }
0xb9: {  	_ =	sfence  }
0xba: {  	s30 =	sld [smem:$0x0];
	_ =	sdelay $0x2  }
0xbb: {  	s31 =	sshll.u32 s1, $0xD;
	s1 =	sshrl.u32 s1, $0x2  }
0xbc: {  	s3 =	sand.u32 $0x4000, s31;
	s1 =	sadd.s32 s1, s30  }
0xbd: {  	s0 =	sor.u32 s3, s0;
	s1 =	sshll.u32 s1, $0x11  }
0xbe: {  	s0 =	sor.u32 s1, s0  }
0xbf: {  	s0 =	sadd.s32 $0x8F2B, s0  }
0xc0: {  	[sflag:s0] =	ssyncadd.remote.s32 $0x1  }
0xc1: {  	_ =	sfence.sel $0xFFFF  }
0xc2: {  	[dreg:$0x0] =	wrdreg $0xFFFFFFFF;
	(pc) =	sbr.abs _section_cstart, $3  }
0xc3: {  	[dreg:$0x1] =	wrdreg $0xFFFFFFFF  }
0xc4: {  	_ =	task.clear_ibuf [dreg:s9], $0x2FFFF;
	_ =	strace $0x9FFFFFFF  }
0xc5: {  	(tm) =	ssettm $0x7FFFFFFF  }
tec
execute0_lowered:
.L_overlay_start_1:
0x0: {  	(tag) =	ssettag $0x1  }
0x1: {  	s0 =	rddreg [dreg:$0x0]  }
0x2: {  	s1 =	rddreg [dreg:$0x1]  }
0x3: {  	s2 =	rddreg [dreg:$0x2]  }
0x4: {  	s4 =	srdreg.scid;
	s3 =	simm.s32 $0x0;
	s9 =	stileid.u32  }
0x5: {  	s12 =	simm.s32 $0x8C00;
	s13 =	simm.s32 $0x9400;
	s14 =	simm.s32 $0x9C00  }
0x6: {  	s15 =	simm.s32 $0xA400;
	s16 =	simm.s32 $0xAC00;
	s17 =	simm.s32 $0xB400  }
0x7: {  	s18 =	simm.s32 $0xBC00;
	s19 =	simm.s32 $0xC400;
	s20 =	simm.s32 $0xCC00  }
0x8: {  	s21 =	simm.s32 $0xD400;
	s22 =	simm.s32 $0xDC00;
	[smem:$0x7FF] =	sst s3  }
0x9: {  	s23 =	simm.s32 $0xE400;
	_ =	strace $0x80000047;
	[dreg:$0x4] =	wrdreg s12  }
0xa: {  	s28 =	simm.s32 $0x6C00;
	s29 =	simm.s32 $0x7400;
	[dreg:$0x5] =	wrdreg s13  }
0xb: {  	s30 =	simm.s32 $0x7C00;
	s31 =	simm.s32 $0x8400;
	[dreg:$0x6] =	wrdreg s14  }
0xc: {  	s4 =	sand.u32 $0x1, s4;
	s6 =	sshll.u32 s9, $0x1;
	[dreg:$0x7] =	wrdreg s15  }
0xd: {  	s24 =	sshrl.u32 s9, $0x2;
	s9 =	sand.u32 $0x3, s9;
	[dreg:$0x8] =	wrdreg s16  }
0xe: {  	s5 =	ssub.s32 $0x2, s4;
	s6 =	sand.u32 $0x6, s6;
	[dreg:$0x9] =	wrdreg s17  }
0xf: {  	s25 =	sshll.u32 s24, $0x4;
	s26 =	sshll.u32 s9, $0x15;
	[dreg:$0xa] =	wrdreg s18  }
0x10: {  	s13 =	simm.s32 $0x3;
	s14 =	simm.s32 $0x400;
	[dreg:$0xb] =	wrdreg s19  }
0x11: {  	s15 =	simm.s32 $0xC00;
	s16 =	simm.s32 $0x1400;
	[dreg:$0xc] =	wrdreg s20  }
0x12: {  	s17 =	simm.s32 $0x1C00;
	s18 =	simm.s32 $0x2400;
	[dreg:$0xd] =	wrdreg s21  }
0x13: {  	s19 =	simm.s32 $0x2C00;
	[dreg:$0xe] =	wrdreg s22;
	s20 =	simm.s32 $0x3400  }
0x14: {  	[dreg:$0xf] =	wrdreg s23;
	s21 =	simm.s32 $0x3C00;
	s22 =	simm.s32 $0x4400  }
0x15: {  	s23 =	simm.s32 $0x4C00;
	s7 =	sshrl.u32 s5, $0x1;
	s6 =	sor.u32 s4, s6  }
0x16: {  	s0 =	sadd.s32 s0, s25;
	s4 =	sshll.u32 s4, $0x14;
	s25 =	simm.s32 $0xF400  }
0x17: {  	s8 =	ssub.s32 s5, s7;
	s6 =	sshll.u32 s6, $0x9;
	s5 =	sshll.u32 s24, $0x17  }
0x18: {  	s7 =	sadd.s32 $0x300, s1;
	s24 =	simm.s32 $0xEC00;
	[dreg:$0x11] =	wrdreg s25  }
0x19: {  	s25 =	simm.s32 $0x5C00;
	s0 =	sadd.s32 s6, s0;
	s9 =	sor.u32 s26, s5  }
0x1a: {  	s5 =	sadd.s32 $0x100, s1;
	s6 =	sadd.s32 $0x200, s1;
	s10 =	smax.u32 s8, $0x1  }
0x1b: {  	[dreg:$0x10] =	wrdreg s24;
	s26 =	simm.s32 $0xFC00;
	s24 =	simm.s32 $0x5400  }
0x1c: {  	s8 =	simm.s32 $0x0;
	[dreg:$0x13] =	wrdreg s0;
	s0 =	sor.u32 s4, s9  }
0x1d: {  	[dreg:$0x14] =	wrdreg s10;
	s11 =	sshrl.u32 s0, $0x3;
	s0 =	sor.u32 $0x8000, s0  }
0x1e: {  	v2 =	vlaneseq.u32;
	[dreg:$0x12] =	wrdreg s26;
	s4 =	sadd.s32 s11, s2;
	s0 =	sshrl.u32 s0, $0x3  }
0x1f: {  	vm0 =	vmmov $0xffff;
	v1 =	vshrl.u32 v2, $0x3;
	s26 =	simm.s32 $0x6400;
	[dreg:$0x15] =	wrdreg s4;
	s0 =	sadd.s32 s0, s2  }
0x20: {  	v0 =	vand.u32 $0x7, v2;
	v2 =	vor.u32 $0x8, v2;
	v1 =	vmul.u32 $0x8, v1;
	s2 =	simm.s32 $0x2;
	[dreg:$0x16] =	wrdreg s0;
	s0 =	simm.s32 $0x1  }
.LBB2_1:
0x21: {  	[dreg:$0x17] =	wrdreg s8  }
0x22: {  	s4 =	rddreg [dreg:$0x13];
	s12 =	simm.s32 $0x80;
	s9 =	simm.s32 $0x200  }
0x23: {  	[tilespmem:s3], [sflag:$0x3] =	stream.strided.gather [hbm4b:s4+s12], $0x400, s9, s12, $0x38;
	[tilespmem:$0x10400] =	vst v63  }
0x24: {  	_ =	swait.ge [sflag:s13], $0x400  }
0x25: {  	[sflag:s13] =	ssyncset.done $0x0  }
0x26: {  	[sflag:s13] =	ssyncadd.s32 $0xFFFFFC00  }
0x27: {  	v3 =	vld [tilespmem:$0x0];
	_ =	sdelay $0x4  }
0x28: {  	v4 =	vshll.u32 v3, $0x3  }
0x29: {  	v3 =	vand.u32 $0x7, v3;
	v4 =	vand.u32 $0xFFFFFFC0, v4  }
0x2a: {  	v3 =	vor.u32 v3, v4  }
0x2b: {  	v4 =	vperm.xlane v3, v0;
	_ =	sdelay $0x1  }
0x2c: {  	v4 =	vadd.s32 v1, v4;
	_ =	sdelay $0x4  }
0x2d: {  	[tilespmem:s14], [sflag:$0x1] =	stream.indirect_vreg.gather [hbm4b:s1+s3], $0x80, v4, vm0, $0xb8;
	[tilespmem:$0x10400] =	vst v63  }
0x2e: {  	v3 =	vperm.xlane v3, v2  }
0x2f: {  	[tilespmem:s15], [sflag:$0x1] =	stream.indirect_vreg.gather [hbm4b:s5+s3], $0x80, v4, vm0, $0xb8;
	[tilespmem:$0x10400] =	vst v63  }
0x30: {  	v3 =	vadd.s32 v1, v3  }
0x31: {  	[tilespmem:s16], [sflag:$0x1] =	stream.indirect_vreg.gather [hbm4b:s6+s3], $0x80, v4, vm0, $0xb8;
	[tilespmem:$0x10400] =	vst v63  }
0x32: {  	_ = 	snop  }
0x33: {  	[tilespmem:s17], [sflag:$0x1] =	stream.indirect_vreg.gather [hbm4b:s7+s3], $0x80, v4, vm0, $0xb8;
	[tilespmem:$0x10400] =	vst v63  }
0x34: {  	_ = 	snop  }
0x35: {  	[tilespmem:s18], [sflag:$0x1] =	stream.indirect_vreg.gather [hbm4b:s1+s3], $0x80, v3, vm0, $0xb8;
	[tilespmem:$0x10400] =	vst v63  }
0x36: {  	_ = 	snop  }
0x37: {  	[tilespmem:s19], [sflag:$0x1] =	stream.indirect_vreg.gather [hbm4b:s5+s3], $0x80, v3, vm0, $0xb8;
	[tilespmem:$0x10400] =	vst v63  }
0x38: {  	_ = 	snop  }
0x39: {  	[tilespmem:s20], [sflag:$0x1] =	stream.indirect_vreg.gather [hbm4b:s6+s3], $0x80, v3, vm0, $0xb8;
	[tilespmem:$0x10400] =	vst v63  }
0x3a: {  	_ = 	snop  }
0x3b: {  	[tilespmem:s21], [sflag:$0x1] =	stream.indirect_vreg.gather [hbm4b:s7+s3], $0x80, v3, vm0, $0xb8;
	[tilespmem:$0x10400] =	vst v63  }
0x3c: {  	v3 =	vld [tilespmem:$0x10];
	_ =	sdelay $0x4  }
0x3d: {  	v63 =	vshll.u32 v3, $0x3  }
0x3e: {  	v3 =	vand.u32 $0x7, v3;
	v4 =	vand.u32 $0xFFFFFFC0, v63  }
0x3f: {  	v3 =	vor.u32 v3, v4  }
0x40: {  	v4 =	vperm.xlane v3, v0;
	_ =	sdelay $0x1  }
0x41: {  	v4 =	vadd.s32 v1, v4;
	_ =	sdelay $0x4  }
0x42: {  	[tilespmem:s22], [sflag:$0x1] =	stream.indirect_vreg.gather [hbm4b:s1+s3], $0x80, v4, vm0, $0xb8;
	[tilespmem:$0x10400] =	vst v63  }
0x43: {  	v3 =	vperm.xlane v3, v2  }
0x44: {  	[tilespmem:s23], [sflag:$0x1] =	stream.indirect_vreg.gather [hbm4b:s5+s3], $0x80, v4, vm0, $0xb8;
	[tilespmem:$0x10400] =	vst v63  }
0x45: {  	v3 =	vadd.s32 v1, v3  }
0x46: {  	[tilespmem:s24], [sflag:$0x1] =	stream.indirect_vreg.gather [hbm4b:s6+s3], $0x80, v4, vm0, $0xb8;
	[tilespmem:$0x10400] =	vst v63  }
0x47: {  	_ = 	snop  }
0x48: {  	[tilespmem:s25], [sflag:$0x1] =	stream.indirect_vreg.gather [hbm4b:s7+s3], $0x80, v4, vm0, $0xb8;
	[tilespmem:$0x10400] =	vst v63  }
0x49: {  	_ = 	snop  }
0x4a: {  	[tilespmem:s26], [sflag:$0x1] =	stream.indirect_vreg.gather [hbm4b:s1+s3], $0x80, v3, vm0, $0xb8;
	[tilespmem:$0x10400] =	vst v63  }
0x4b: {  	_ = 	snop  }
0x4c: {  	[tilespmem:s28], [sflag:$0x1] =	stream.indirect_vreg.gather [hbm4b:s5+s3], $0x80, v3, vm0, $0xb8;
	[tilespmem:$0x10400] =	vst v63  }
0x4d: {  	s10 =	rddreg [dreg:$0x16]  }
0x4e: {  	[tilespmem:s29], [sflag:$0x1] =	stream.indirect_vreg.gather [hbm4b:s6+s3], $0x80, v3, vm0, $0xb8;
	[tilespmem:$0x10400] =	vst v63  }
0x4f: {  	s8 =	simm.s32 $0x0;
	s12 =	simm.s32 $0x30;
	s9 =	rddreg [dreg:$0x15]  }
0x50: {  	[tilespmem:s30], [sflag:$0x1] =	stream.indirect_vreg.gather [hbm4b:s7+s3], $0x80, v3, vm0, $0xb8;
	[tilespmem:$0x10400] =	vst v63  }
.LBB2_2:
0x51: {  	v3 =	vld [tilespmem:s12+$0xFFFFFFF0];
	_ =	sdelay $0x4  }
0x52: {  	v4 =	vshll.u32 v3, $0x3  }
0x53: {  	v3 =	vand.u32 $0x7, v3;
	v4 =	vand.u32 $0xFFFFFFC0, v4  }
0x54: {  	v3 =	vor.u32 v3, v4  }
0x55: {  	v4 =	vperm.xlane v3, v0;
	_ =	sdelay $0x1  }
0x56: {  	v4 =	vadd.s32 v1, v4;
	_ =	sdelay $0x4  }
0x57: {  	[tilespmem:s31], [sflag:$0x2] =	stream.indirect_vreg.gather [hbm4b:s1+s3], $0x80, v4, vm0, $0xb8;
	[tilespmem:$0x10400] =	vst v63  }
0x58: {  	s4 =	rddreg [dreg:$0x4];
	v3 =	vperm.xlane v3, v2  }
0x59: {  	[tilespmem:s4], [sflag:$0x2] =	stream.indirect_vreg.gather [hbm4b:s5+s3], $0x80, v4, vm0, $0xb8;
	[tilespmem:$0x10400] =	vst v63  }
0x5a: {  	s11 =	rddreg [dreg:$0x5];
	v3 =	vadd.s32 v1, v3  }
0x5b: {  	[tilespmem:s11], [sflag:$0x2] =	stream.indirect_vreg.gather [hbm4b:s6+s3], $0x80, v4, vm0, $0xb8;
	[tilespmem:$0x10400] =	vst v63  }
0x5c: {  	s4 =	rddreg [dreg:$0x6]  }
0x5d: {  	[tilespmem:s4], [sflag:$0x2] =	stream.indirect_vreg.gather [hbm4b:s7+s3], $0x80, v4, vm0, $0xb8;
	[tilespmem:$0x10400] =	vst v63  }
0x5e: {  	s11 =	rddreg [dreg:$0x7]  }
0x5f: {  	[tilespmem:s11], [sflag:$0x2] =	stream.indirect_vreg.gather [hbm4b:s1+s3], $0x80, v3, vm0, $0xb8;
	[tilespmem:$0x10400] =	vst v63  }
0x60: {  	s4 =	rddreg [dreg:$0x8]  }
0x61: {  	[tilespmem:s4], [sflag:$0x2] =	stream.indirect_vreg.gather [hbm4b:s5+s3], $0x80, v3, vm0, $0xb8;
	[tilespmem:$0x10400] =	vst v63  }
0x62: {  	s11 =	rddreg [dreg:$0x9]  }
0x63: {  	[tilespmem:s11], [sflag:$0x2] =	stream.indirect_vreg.gather [hbm4b:s6+s3], $0x80, v3, vm0, $0xb8;
	[tilespmem:$0x10400] =	vst v63  }
0x64: {  	s4 =	rddreg [dreg:$0xa]  }
0x65: {  	[tilespmem:s4], [sflag:$0x2] =	stream.indirect_vreg.gather [hbm4b:s7+s3], $0x80, v3, vm0, $0xb8;
	[tilespmem:$0x10400] =	vst v63  }
0x66: {  	v3 =	vld [tilespmem:s12+$0x0];
	_ =	sdelay $0x4  }
0x67: {  	v61 =	vshll.u32 v3, $0x3  }
0x68: {  	v3 =	vand.u32 $0x7, v3;
	v4 =	vand.u32 $0xFFFFFFC0, v61  }
0x69: {  	v3 =	vor.u32 v3, v4  }
0x6a: {  	v4 =	vperm.xlane v3, v0;
	_ =	sdelay $0x1  }
0x6b: {  	v4 =	vadd.s32 v1, v4;
	_ =	sdelay $0x3  }
0x6c: {  	s4 =	rddreg [dreg:$0xb]  }
0x6d: {  	[tilespmem:s4], [sflag:$0x2] =	stream.indirect_vreg.gather [hbm4b:s1+s3], $0x80, v4, vm0, $0xb8;
	[tilespmem:$0x10400] =	vst v63  }
0x6e: {  	s11 =	rddreg [dreg:$0xc];
	v3 =	vperm.xlane v3, v2  }
0x6f: {  	[tilespmem:s11], [sflag:$0x2] =	stream.indirect_vreg.gather [hbm4b:s5+s3], $0x80, v4, vm0, $0xb8;
	[tilespmem:$0x10400] =	vst v63  }
0x70: {  	v3 =	vadd.s32 v1, v3;
	s4 =	rddreg [dreg:$0xd]  }
0x71: {  	[tilespmem:s4], [sflag:$0x2] =	stream.indirect_vreg.gather [hbm4b:s6+s3], $0x80, v4, vm0, $0xb8;
	[tilespmem:$0x10400] =	vst v63  }
0x72: {  	s11 =	rddreg [dreg:$0xe]  }
0x73: {  	[tilespmem:s11], [sflag:$0x2] =	stream.indirect_vreg.gather [hbm4b:s7+s3], $0x80, v4, vm0, $0xb8;
	[tilespmem:$0x10400] =	vst v63  }
0x74: {  	s4 =	rddreg [dreg:$0xf]  }
0x75: {  	[tilespmem:s4], [sflag:$0x2] =	stream.indirect_vreg.gather [hbm4b:s1+s3], $0x80, v3, vm0, $0xb8;
	[tilespmem:$0x10400] =	vst v63  }
0x76: {  	s11 =	rddreg [dreg:$0x10]  }
0x77: {  	[tilespmem:s11], [sflag:$0x2] =	stream.indirect_vreg.gather [hbm4b:s5+s3], $0x80, v3, vm0, $0xb8;
	[tilespmem:$0x10400] =	vst v63  }
0x78: {  	s4 =	rddreg [dreg:$0x11]  }
0x79: {  	[tilespmem:s4], [sflag:$0x2] =	stream.indirect_vreg.gather [hbm4b:s6+s3], $0x80, v3, vm0, $0xb8;
	[tilespmem:$0x10400] =	vst v63  }
0x7a: {  	s11 =	rddreg [dreg:$0x12]  }
0x7b: {  	[tilespmem:s11], [sflag:$0x2] =	stream.indirect_vreg.gather [hbm4b:s7+s3], $0x80, v3, vm0, $0xb8;
	[tilespmem:$0x10400] =	vst v63  }
0x7c: {  	_ =	swait.ge [sflag:s0], $0x8000  }
0x7d: {  	[sflag:s0] =	ssyncset.done $0x0  }
0x7e: {  	[sflag:s0] =	ssyncadd.s32 $0xFFFF8000  }
0x7f: {  	[hbm4b:s9+s3] =	stream.linear.scatter [tilespmem:s14], [sflag:$0x3], $0x8000, $0x38;
	[tilespmem:$0x10400] =	vst v63  }
0x80: {  	_ =	swait.ge [sflag:s13], $0x8000  }
0x81: {  	[sflag:s13] =	ssyncset.done $0x0  }
0x82: {  	s11 =	smin.u32 s8, $0x3A0;
	[sflag:s13] =	ssyncadd.s32 $0xFFFF8000  }
0x83: {  	v3 =	vld [tilespmem:s11+$0x40];
	_ =	sdelay $0x4  }
0x84: {  	v62 =	vshll.u32 v3, $0x3  }
0x85: {  	v3 =	vand.u32 $0x7, v3;
	v4 =	vand.u32 $0xFFFFFFC0, v62  }
0x86: {  	v3 =	vor.u32 v3, v4  }
0x87: {  	v4 =	vperm.xlane v3, v0;
	_ =	sdelay $0x1  }
0x88: {  	v4 =	vadd.s32 v1, v4;
	_ =	sdelay $0x4  }
0x89: {  	[tilespmem:s14], [sflag:$0x1] =	stream.indirect_vreg.gather [hbm4b:s1+s3], $0x80, v4, vm0, $0xb8;
	[tilespmem:$0x10400] =	vst v63  }
0x8a: {  	v3 =	vperm.xlane v3, v2  }
0x8b: {  	[tilespmem:s15], [sflag:$0x1] =	stream.indirect_vreg.gather [hbm4b:s5+s3], $0x80, v4, vm0, $0xb8;
	[tilespmem:$0x10400] =	vst v63  }
0x8c: {  	v3 =	vadd.s32 v1, v3  }
0x8d: {  	[tilespmem:s16], [sflag:$0x1] =	stream.indirect_vreg.gather [hbm4b:s6+s3], $0x80, v4, vm0, $0xb8;
	[tilespmem:$0x10400] =	vst v63  }
0x8e: {  	_ = 	snop  }
0x8f: {  	[tilespmem:s17], [sflag:$0x1] =	stream.indirect_vreg.gather [hbm4b:s7+s3], $0x80, v4, vm0, $0xb8;
	[tilespmem:$0x10400] =	vst v63  }
0x90: {  	_ = 	snop  }
0x91: {  	[tilespmem:s18], [sflag:$0x1] =	stream.indirect_vreg.gather [hbm4b:s1+s3], $0x80, v3, vm0, $0xb8;
	[tilespmem:$0x10400] =	vst v63  }
0x92: {  	_ = 	snop  }
0x93: {  	[tilespmem:s19], [sflag:$0x1] =	stream.indirect_vreg.gather [hbm4b:s5+s3], $0x80, v3, vm0, $0xb8;
	[tilespmem:$0x10400] =	vst v63  }
0x94: {  	_ = 	snop  }
0x95: {  	[tilespmem:s20], [sflag:$0x1] =	stream.indirect_vreg.gather [hbm4b:s6+s3], $0x80, v3, vm0, $0xb8;
	[tilespmem:$0x10400] =	vst v63  }
0x96: {  	_ = 	snop  }
0x97: {  	[tilespmem:s21], [sflag:$0x1] =	stream.indirect_vreg.gather [hbm4b:s7+s3], $0x80, v3, vm0, $0xb8;
	[tilespmem:$0x10400] =	vst v63  }
0x98: {  	v3 =	vld [tilespmem:s11+$0x50];
	_ =	sdelay $0x4  }
0x99: {  	v63 =	vshll.u32 v3, $0x3  }
0x9a: {  	v3 =	vand.u32 $0x7, v3;
	v4 =	vand.u32 $0xFFFFFFC0, v63  }
0x9b: {  	v3 =	vor.u32 v3, v4  }
0x9c: {  	v4 =	vperm.xlane v3, v0;
	_ =	sdelay $0x1  }
0x9d: {  	v4 =	vadd.s32 v1, v4;
	_ =	sdelay $0x4  }
0x9e: {  	[tilespmem:s22], [sflag:$0x1] =	stream.indirect_vreg.gather [hbm4b:s1+s3], $0x80, v4, vm0, $0xb8;
	[tilespmem:$0x10400] =	vst v63  }
0x9f: {  	v3 =	vperm.xlane v3, v2  }
0xa0: {  	[tilespmem:s23], [sflag:$0x1] =	stream.indirect_vreg.gather [hbm4b:s5+s3], $0x80, v4, vm0, $0xb8;
	[tilespmem:$0x10400] =	vst v63  }
0xa1: {  	v3 =	vadd.s32 v1, v3  }
0xa2: {  	[tilespmem:s24], [sflag:$0x1] =	stream.indirect_vreg.gather [hbm4b:s6+s3], $0x80, v4, vm0, $0xb8;
	[tilespmem:$0x10400] =	vst v63  }
0xa3: {  	_ = 	snop  }
0xa4: {  	[tilespmem:s25], [sflag:$0x1] =	stream.indirect_vreg.gather [hbm4b:s7+s3], $0x80, v4, vm0, $0xb8;
	[tilespmem:$0x10400] =	vst v63  }
0xa5: {  	_ = 	snop  }
0xa6: {  	[tilespmem:s26], [sflag:$0x1] =	stream.indirect_vreg.gather [hbm4b:s1+s3], $0x80, v3, vm0, $0xb8;
	[tilespmem:$0x10400] =	vst v63  }
0xa7: {  	_ = 	snop  }
0xa8: {  	[tilespmem:s28], [sflag:$0x1] =	stream.indirect_vreg.gather [hbm4b:s5+s3], $0x80, v3, vm0, $0xb8;
	[tilespmem:$0x10400] =	vst v63  }
0xa9: {  	_ = 	snop  }
0xaa: {  	[tilespmem:s29], [sflag:$0x1] =	stream.indirect_vreg.gather [hbm4b:s6+s3], $0x80, v3, vm0, $0xb8;
	[tilespmem:$0x10400] =	vst v63  }
0xab: {  	_ = 	snop  }
0xac: {  	[tilespmem:s30], [sflag:$0x1] =	stream.indirect_vreg.gather [hbm4b:s7+s3], $0x80, v3, vm0, $0xb8;
	[tilespmem:$0x10400] =	vst v63  }
0xad: {  	_ =	swait.ge [sflag:s2], $0x8000  }
0xae: {  	p0 =	sne.s32 s8, $0x3C0;
	[sflag:s2] =	ssyncset.done $0x0  }
.Ltmp0:
0xaf: {  	[sflag:s2] =	ssyncadd.s32 $0xFFFF8000;
	(pc) =	sbr.rel @p0 .LBB2_2-.Ltmp0, $4  }
0xb0: {  	[hbm4b:s10+s3] =	stream.linear.scatter [tilespmem:s31], [sflag:$0x3], $0x8000, $0x38;
	[tilespmem:$0x10400] =	vst v63  }
0xb1: {  	_ =	swait.ge [sflag:s13], $0x8000  }
0xb2: {  	s12 =	sadd.s32 $0x40, s12;
	s8 =	sadd.s32 $0x40, s8;
	[sflag:s13] =	ssyncset.done $0x0  }
0xb3: {  	s9 =	sadd.s32 $0x2000, s9;
	s10 =	sadd.s32 $0x2000, s10;
	[sflag:s13] =	ssyncadd.s32 $0xFFFF8000  }
0xb4: {  	_ =	swait.ge [sflag:s0], $0x8000  }
0xb5: {  	s8 =	rddreg [dreg:$0x17]  }
0xb6: {  	s4 =	rddreg [dreg:$0x14];
	s8 =	sadd.s32 $0x1, s8  }
0xb7: {  	p0 =	sne.s32 s8, s4  }
.Ltmp1:
0xb8: {  	_ = 	snop;
	(pc) =	sbr.rel @p0 .LBB2_1-.Ltmp1, $3  }
0xb9: {  	_ =	sdelay $0x1  }
0xba: {  	[sflag:s0] =	ssyncset.done $0x0  }
0xbb: {  	[sflag:s0] =	ssyncadd.s32 $0xFFFF8000  }
0xbc: {  	_ =	sfence.sel $0x180000  }
0xbd: {  	[bflag:$0x0] =	sbarrier.arrive $0xFFFF  }
0xbe: {  	_ =	strace $0x90000047  }
0xbf: {  	s0 =	stileid.u32;
	[bflag:$0x2] =	sbarrier.arrive $0xFFFF  }
0xc0: {  	p0 =	sne.s32 s0, $0x0;
	s0 =	rddreg [dreg:$0x3]  }
0xc1: {  	s0 =	sadd.s32 @!p0 $0x100000, s0  }
0xc2: {  	[sflag:s0] =	ssyncadd.tile.s32 @!p0 $0x1;
	_ =	shalt  }
.Lfunc_end2:
_tile_overlayer_lowered:
.L_overlay_start_2:
0xc3: {  	(tag) =	ssettag $0x2  }
0xc4: {  	s0 =	rddreg [dreg:$0x0];
	s2 =	stileid.u32  }
0xc5: {  	s1 =	rddreg [dreg:$0x1];
	p0 =	sne.s32 s2, $0x0  }
0xc6: {  	s3 =	rddreg [dreg:$0x2];
	[bflag:$0x3] =	sbarrier.arrive $0xFFFF;
	s2 =	simm.s32 @!p0 $0x1C03  }
0xc7: {  	[timem:s3], [sflag:s2] =	dma.local @!p0 [hbm:s0], s1  }
0xc8: {  	s0 =	simm.s32 @!p0 $0x3  }
0xc9: {  	_ =	swait.ge @!p0 [sflag:s0], s1  }
0xca: {  	s1 =	ssub.s32 @!p0 $0x0, s1;
	[sflag:s0] =	ssyncset.done @!p0 $0x0  }
0xcb: {  	[sflag:s0] =	ssyncadd.s32 @!p0 s1  }
0xcc: {  	[bflag:$0x3] =	sbarrier.arrive $0xFFFF  }
0xcd: {  	_ =	shalt  }

</sc_bundles>
